<compile_context>
chip_gen: v7x
topology: tpu7x:2x2x1
jax: 0.10.2.dev20260603
libtpu: 0.0.44.dev20260713+nightly
codegen_flags: <defaults>
</compile_context>

<pallas_src>
import functools

import jax
import jax.numpy as jnp
from jax import lax
from jax.experimental import pallas as pl
from jax.experimental.pallas import tpu as pltpu
from jax.experimental.pallas import tpu_sc as plsc

_B = 16384
_NLINES = 6
_NC, _NS, _L = 1, 16, 16
_NW = _NC * _NS
_ROWS = _B // _NW
_NGRP = _ROWS // _L


def _hex_index_body(lines_hbm, out_hbm, lines_v, idx_v):
    wid = lax.axis_index("s") * _NC + lax.axis_index("c")
    base = wid * _ROWS
    pltpu.sync_copy(
        lines_hbm.at[pl.ds(base * _NLINES, _ROWS * _NLINES)], lines_v)
    lane6 = lax.iota(jnp.int32, 16) * _NLINES

    def group(g, carry):
        word0 = lane6 + g * (_L * _NLINES)
        acc = plsc.load_gather(lines_v, [word0])
        for j in range(1, _NLINES):
            acc = acc + plsc.load_gather(lines_v, [word0 + j]) * float(1 << j)
        idx_v[pl.ds(g * _L, _L)] = acc.astype(jnp.int32)
        return carry

    lax.fori_loop(0, _NGRP, group, 0)
    pltpu.sync_copy(idx_v, out_hbm.at[pl.ds(base, _ROWS)])


_hex_index_sc = functools.partial(
    pl.kernel,
    out_type=jax.ShapeDtypeStruct((_B,), jnp.int32),
    mesh=plsc.VectorSubcoreMesh(
        core_axis_name="c", subcore_axis_name="s",
        num_cores=_NC, num_subcores=_NS),
    scratch_types=[
        pltpu.VMEM((_ROWS * _NLINES,), jnp.float32),
        pltpu.VMEM((_ROWS,), jnp.int32),
    ],
    compiler_params=pltpu.CompilerParams(
        needs_layout_passes=False, skip_device_barrier=True),
)(_hex_index_body)


def kernel(lines, hex_table, line_table):
    hex_index = _hex_index_sc(lines.reshape(_B * _NLINES))
    return (lines, hex_index, lines, jnp.zeros_like(lines))

# --- scband reference (transcript-rebuilt; emitter-appended) ---
"""Pipeline reference for scband-hexagram-encoder-36756330119933 (READ-ONLY COPY).

The authoritative reference and input builder live on the scoring server;
editing this copy changes nothing except your own understanding.
"""

import jax, jax.numpy as jnp
import numpy as np

B = 16384
HEX_DIM = 256
LINE_DIM = HEX_DIM // 6  # 42


def setup_inputs(seed: int = 0) -> dict:
    key = jax.random.key(seed)
    k1, k2, k3 = jax.random.split(key, 3)
    lines = jax.random.randint(k1, (B, 6), 0, 2).astype(jnp.float32)
    hex_table = jax.random.normal(k2, (64, HEX_DIM), dtype=jnp.float32)
    line_table = jax.random.normal(k3, (6, LINE_DIM), dtype=jnp.float32)
    return {"lines": lines, "hex_table": hex_table, "line_table": line_table}


def reference(lines, hex_table, line_table):
    batch_size = lines.shape[0]
    lines = lines[:, :6]
    lines_long = lines.astype(jnp.int32)
    weights = jnp.array([1, 2, 4, 8, 16, 32], dtype=jnp.int32)
    hex_index = jnp.sum(lines_long * weights[None, :], axis=1)
    # embedding lookups (computed in the original forward, though not returned in the state)
    hexagram_emb = jnp.take(hex_table, hex_index, axis=0)
    line_embs = jnp.take(line_table, jnp.arange(6), axis=0)
    line_embs = jnp.broadcast_to(line_embs[None, :, :], (batch_size, 6, line_table.shape[1]))
    nuclear_lower = lines[:, 0:3]
    nuclear_upper = lines[:, 3:6]
    nuclear = jnp.concatenate([nuclear_lower, nuclear_upper], axis=-1)
    changing_lines = jnp.zeros_like(lines)
    # HexagramState fields: lines, hexagram_index, nuclear, changing_lines
    return (lines, hex_index, nuclear, changing_lines)

if __name__ == "__main__":
    import jax
    _d = setup_inputs()
    print(jax.jit(kernel)(*tuple(_d.values())))

</pallas_src>

<mosaic_0001>
#map = affine_map<(d0, d1) -> (0)>
module attributes {stable_mosaic.version = 14 : i64} {
  func.func @_hex_index_body(%arg0: i32, %arg1: i32, %arg2: memref<98304xf32, #tpu.memory_space<hbm>>, %arg3: memref<16384xi32, #tpu.memory_space<hbm>>, %arg4: memref<6144xf32, #tpu.memory_space<vmem>>, %arg5: memref<1024xi32, #tpu.memory_space<vmem>>) attributes {dimension_semantics = [#tpu.dimension_semantics<core_parallel>, #tpu.dimension_semantics<subcore_parallel>], iteration_bounds = array<i64: 1, 16>, scalar_prefetch = 0 : i64, scratch_operands = 2 : i64, tpu.core_type = #tpu.core_type<sc_vector_subcore>, window_params = [{transform_indices = #map}, {transform_indices = #map}]} {
    %mul3A = arith.constant 1 : i32
    %mul3A_0 = arith.muli %arg1, %mul3A : i32
    %add3A = arith.addi %mul3A_0, %arg0 : i32
    %mul3A_1 = arith.constant 1024 : i32
    %mul3A_2 = arith.muli %add3A, %mul3A_1 : i32
    %mul3A_3 = arith.constant 6 : i32
    %mul3A_4 = arith.muli %mul3A_2, %mul3A_3 : i32
    "tpu.region"() ({
      %run_scoped3A = tpu.sem_alloc : memref<!tpu.dma_semaphore, #tpu.memory_space<semaphore_mem>>
      %dma_start3A = tpu.memref_slice %arg2[%mul3A_4] : memref<98304xf32, #tpu.memory_space<hbm>> -> memref<6144xf32, #tpu.memory_space<hbm>>
      %dma_start3A_13 = tpu.memref_slice %arg2[%mul3A_4] : memref<98304xf32, #tpu.memory_space<hbm>> -> memref<6144xf32, #tpu.memory_space<hbm>>
      tpu.enqueue_dma source(%dma_start3A_13 : memref<6144xf32, #tpu.memory_space<hbm>>) target(%arg4 : memref<6144xf32, #tpu.memory_space<vmem>>) target_semaphore(%run_scoped3A : memref<!tpu.dma_semaphore, #tpu.memory_space<semaphore_mem>>)
      %dma_wait3A = tpu.memref_slice %arg2[%mul3A_4] : memref<98304xf32, #tpu.memory_space<hbm>> -> memref<6144xf32, #tpu.memory_space<hbm>>
      %dma_wait3A_14 = tpu.memref_slice %arg2[%mul3A_4] : memref<98304xf32, #tpu.memory_space<hbm>> -> memref<6144xf32, #tpu.memory_space<hbm>>
      tpu.wait_dma2 semaphore(%run_scoped3A : memref<!tpu.dma_semaphore, #tpu.memory_space<semaphore_mem>>) src(%dma_wait3A_14 : memref<6144xf32, #tpu.memory_space<hbm>>) dst(%arg4 : memref<6144xf32, #tpu.memory_space<vmem>>)
      tpu.yield
    }) : () -> ()
    %iota3A = tpu.iota {dimensions = array<i32: 0>} : vector<16xi32>
    %mul3A_5 = arith.constant 6 : i32
    %mul3A_6 = vector.broadcast %mul3A_5 : i32 to vector<16xi32>
    %mul3A_7 = arith.muli %iota3A, %mul3A_6 : vector<16xi32>
    %scan3A = arith.constant 0 : i32
    %scan3A_8 = arith.constant 0 : i32
    %scan3A_9 = arith.constant 64 : i32
    %scan3A_10 = arith.addi %scan3A_8, %scan3A_9 : i32
    %scan3A_11 = arith.constant 1 : i32
    scf.for %scan3A_13 = %scan3A_8 to %scan3A_10 step %scan3A_11  : i32 {
      %mul3A_14 = arith.constant 96 : i32
      %mul3A_15 = arith.muli %scan3A_13, %mul3A_14 : i32
      %add3A_16 = vector.broadcast %mul3A_15 : i32 to vector<16xi32>
      %add3A_17 = arith.addi %mul3A_7, %add3A_16 : vector<16xi32>
      %gather3A = tpu.vector_load_idx %arg4[%add3A_17] : memref<6144xf32, #tpu.memory_space<vmem>>[vector<16xi32>], vector<16xf32>,
      %add3A_18 = arith.constant 1 : i32
      %add3A_19 = vector.broadcast %add3A_18 : i32 to vector<16xi32>
      %add3A_20 = arith.addi %add3A_17, %add3A_19 : vector<16xi32>
      %gather3A_21 = tpu.vector_load_idx %arg4[%add3A_20] : memref<6144xf32, #tpu.memory_space<vmem>>[vector<16xi32>], vector<16xf32>,
      %mul3A_22 = arith.constant 2.000000e+00 : f32
      %mul3A_23 = vector.broadcast %mul3A_22 : f32 to vector<16xf32>
      %mul3A_24 = arith.mulf %gather3A_21, %mul3A_23 : vector<16xf32>
      %add3A_25 = arith.addf %gather3A, %mul3A_24 : vector<16xf32>
      %add3A_26 = arith.constant 2 : i32
      %add3A_27 = vector.broadcast %add3A_26 : i32 to vector<16xi32>
      %add3A_28 = arith.addi %add3A_17, %add3A_27 : vector<16xi32>
      %gather3A_29 = tpu.vector_load_idx %arg4[%add3A_28] : memref<6144xf32, #tpu.memory_space<vmem>>[vector<16xi32>], vector<16xf32>,
      %mul3A_30 = arith.constant 4.000000e+00 : f32
      %mul3A_31 = vector.broadcast %mul3A_30 : f32 to vector<16xf32>
      %mul3A_32 = arith.mulf %gather3A_29, %mul3A_31 : vector<16xf32>
      %add3A_33 = arith.addf %add3A_25, %mul3A_32 : vector<16xf32>
      %add3A_34 = arith.constant 3 : i32
      %add3A_35 = vector.broadcast %add3A_34 : i32 to vector<16xi32>
      %add3A_36 = arith.addi %add3A_17, %add3A_35 : vector<16xi32>
      %gather3A_37 = tpu.vector_load_idx %arg4[%add3A_36] : memref<6144xf32, #tpu.memory_space<vmem>>[vector<16xi32>], vector<16xf32>,
      %mul3A_38 = arith.constant 8.000000e+00 : f32
      %mul3A_39 = vector.broadcast %mul3A_38 : f32 to vector<16xf32>
      %mul3A_40 = arith.mulf %gather3A_37, %mul3A_39 : vector<16xf32>
      %add3A_41 = arith.addf %add3A_33, %mul3A_40 : vector<16xf32>
      %add3A_42 = arith.constant 4 : i32
      %add3A_43 = vector.broadcast %add3A_42 : i32 to vector<16xi32>
      %add3A_44 = arith.addi %add3A_17, %add3A_43 : vector<16xi32>
      %gather3A_45 = tpu.vector_load_idx %arg4[%add3A_44] : memref<6144xf32, #tpu.memory_space<vmem>>[vector<16xi32>], vector<16xf32>,
      %mul3A_46 = arith.constant 1.600000e+01 : f32
      %mul3A_47 = vector.broadcast %mul3A_46 : f32 to vector<16xf32>
      %mul3A_48 = arith.mulf %gather3A_45, %mul3A_47 : vector<16xf32>
      %add3A_49 = arith.addf %add3A_41, %mul3A_48 : vector<16xf32>
      %add3A_50 = arith.constant 5 : i32
      %add3A_51 = vector.broadcast %add3A_50 : i32 to vector<16xi32>
      %add3A_52 = arith.addi %add3A_17, %add3A_51 : vector<16xi32>
      %gather3A_53 = tpu.vector_load_idx %arg4[%add3A_52] : memref<6144xf32, #tpu.memory_space<vmem>>[vector<16xi32>], vector<16xf32>,
      %mul3A_54 = arith.constant 3.200000e+01 : f32
      %mul3A_55 = vector.broadcast %mul3A_54 : f32 to vector<16xf32>
      %mul3A_56 = arith.mulf %gather3A_53, %mul3A_55 : vector<16xf32>
      %add3A_57 = arith.addf %add3A_49, %mul3A_56 : vector<16xf32>
      %convert_element_type3A = arith.fptosi %add3A_57 : vector<16xf32> to vector<16xi32>
      %mul3A_58 = arith.constant 16 : i32
      %mul3A_59 = arith.muli %scan3A_13, %mul3A_58 : i32
      %swap3A = arith.index_cast %mul3A_59 : i32 to index
      %swap3A_60 = tpu.vector_load %arg5[%swap3A] {strides = array<i32>} : memref<1024xi32, #tpu.memory_space<vmem>>, vector<16xi32>,
      tpu.vector_store %arg5[%swap3A], %convert_element_type3A {strides = array<i32>} : memref<1024xi32, #tpu.memory_space<vmem>>, vector<16xi32>,
    }
    %scan3A_12 = arith.constant 64 : i32
    "tpu.region"() ({
      %run_scoped3A = tpu.sem_alloc : memref<!tpu.dma_semaphore, #tpu.memory_space<semaphore_mem>>
      %dma_start3A = tpu.memref_slice %arg3[%mul3A_2] : memref<16384xi32, #tpu.memory_space<hbm>> -> memref<1024xi32, #tpu.memory_space<hbm>>
      %dma_start3A_13 = tpu.memref_slice %arg3[%mul3A_2] : memref<16384xi32, #tpu.memory_space<hbm>> -> memref<1024xi32, #tpu.memory_space<hbm>>
      tpu.enqueue_dma source(%arg5 : memref<1024xi32, #tpu.memory_space<vmem>>) target(%dma_start3A_13 : memref<1024xi32, #tpu.memory_space<hbm>>) target_semaphore(%run_scoped3A : memref<!tpu.dma_semaphore, #tpu.memory_space<semaphore_mem>>)
      %dma_wait3A = tpu.memref_slice %arg3[%mul3A_2] : memref<16384xi32, #tpu.memory_space<hbm>> -> memref<1024xi32, #tpu.memory_space<hbm>>
      %dma_wait3A_14 = tpu.memref_slice %arg3[%mul3A_2] : memref<16384xi32, #tpu.memory_space<hbm>> -> memref<1024xi32, #tpu.memory_space<hbm>>
      tpu.wait_dma2 semaphore(%run_scoped3A : memref<!tpu.dma_semaphore, #tpu.memory_space<semaphore_mem>>) src(%arg5 : memref<1024xi32, #tpu.memory_space<vmem>>) dst(%dma_wait3A_14 : memref<1024xi32, #tpu.memory_space<hbm>>)
      tpu.yield
    }) : () -> ()
    return
  }
}

</mosaic_0001>

<sc_bundles>
// kernel: kernel.3.cloned.1.call-start
scs
__scs_entry_jumppad:
0x0: {  	(pc) =	sbr.rel $0x88, $3  }
0x1: {  	(tag) =	ssettag $0x0;
	lr =	simm.s32 $0x1  }
0x2: {  	[smem:$0x3FA0] =	sst lr;
	_ =	strace $0xD0000000  }
0x3: {  	_ = 	snop  }
0x4: {  	_ = 	snop  }
0x5: {  	_ = 	snop  }
0x6: {  	_ = 	snop  }
0x7: {  	_ = 	snop  }
__scs_overlays_trampoline_lowered:
0x8: {  	[smem:$0x3FAF] =	sst s0  }
0x9: {  	[smem:$0x3FB0] =	sst s1  }
0xa: {  	[smem:$0x3FB1] =	sst s2  }
0xb: {  	[smem:$0x3FB2] =	sst s3  }
0xc: {  	[smem:$0x3FB3] =	sst s4  }
0xd: {  	[smem:$0x3FB4] =	sst s5  }
0xe: {  	[smem:$0x3FB5] =	sst s6  }
0xf: {  	[smem:$0x3FB6] =	sst s7  }
0x10: {  	[smem:$0x3FB7] =	sst s8  }
0x11: {  	[smem:$0x3FB8] =	sst s9;
	s0 =	simm.s32 @!p0 $0x0  }
0x12: {  	s1 =	sld [smem:$0x3F9E];
	s0 =	simm.s32 @p0 $0x1  }
0x13: {  	[smem:$0x3FB9] =	sst s0;
	s0 =	simm.s32 @!p1 $0x0  }
0x14: {  	s2 =	sld [smem:$0x3F9D];
	s0 =	simm.s32 @p1 $0x1  }
0x15: {  	[smem:$0x3FBA] =	sst s0;
	s0 =	simm.s32 @!p2 $0x0  }
0x16: {  	s3 =	sld [smem:$0x3FDB];
	s0 =	simm.s32 @p2 $0x1  }
0x17: {  	s4 =	simm.s32 $0x1BF5;
	[smem:$0x3FBC] =	sst s0  }
0x18: {  	s0 =	sld [smem:$0x3F9F];
	_ =	swait.ge [sflag:s4], $0x0  }
0x19: {  	s7 =	sld [smem:$0x3FA0]  }
0x1a: {  	s8 =	sadd.s32 $0xFFFFE003, lr  }
0x1b: {  	s9 =	sadd.s32 $0xFFFFFEF7, lr;
	s5 =	simm.s32 $0xFFFFFFFF;
	p2 =	slt.u32 s8, $0xFFFFF086  }
0x1c: {  	p1 =	slt.u32 s9, $0xF7A;
	s5 =	simm.s32 @!p2 $0x0  }
0x1d: {  	s5 =	simm.s32 @p1 $0x1;
	p0 =	seq.s32 s7, s2  }
0x1e: {  	s7 =	smul.u32 @!p0 $0xF7A, s2;
	p2 =	seq.s32 @!p0 s5, $0x0  }
0x1f: {  	s9 =	smul.u32 $0xF7A, s1;
	s8 =	simm.s32 @!p0 $0x1BF5;
	p2 =	por !p2, p0  }
0x20: {  	[sflag:s8] =	ssyncset.s32 @!p0 $0xFFFFF086;
	s6 =	sadd.s32 @!p0 s3, s7;
	s7 =	simm.s32 @!p0 $0x108  }
0x21: {  	s3 =	sadd.s32 s3, s9;
	s6 =	sadd.s32 @!p0 $0x88, s6;
	s7 =	simm.s32 @p2 $0x1082  }
0x22: {  	[simem:s7], [sflag:s8] =	dma.local @!p0 [hbm:s6], $0xF7A  }
0x23: {  	s9 =	sor.u32 $0xD0000000, s2;
	s6 =	simm.s32 $0x108;
	_ =	swait.ge @!p0 [sflag:s8], $0x0  }
0x24: {  	s3 =	sadd.s32 $0x88, s3;
	s6 =	simm.s32 @!p1 $0x1082;
	[sflag:s4] =	ssyncset.s32 $0xFFFFF086  }
0x25: {  	[simem:s6], [sflag:s4] =	dma.local [hbm:s3], $0xF7A  }
0x26: {  	[smem:$0x3FA0] =	sst s1;
	(tag) =	ssettag s2;
	_ =	strace s9  }
0x27: {  	s1 =	sld [smem:$0x3FB0]  }
0x28: {  	s2 =	sld [smem:$0x3FB1]  }
0x29: {  	s4 =	sld [smem:$0x3FB3]  }
0x2a: {  	p0 =	seq.s32 s5, $0x0;
	s5 =	sld [smem:$0x3FB4]  }
0x2b: {  	s6 =	sld [smem:$0x3FB5]  }
0x2c: {  	s7 =	sld [smem:$0x3FB6]  }
0x2d: {  	s3 =	simm.s32 $0x108;
	s8 =	sld [smem:$0x3FB7]  }
0x2e: {  	s3 =	simm.s32 @!p0 $0x1082;
	s9 =	sld [smem:$0x3FB8]  }
0x2f: {  	lr =	sadd.s32 s0, s3;
	s0 =	sld [smem:$0x3FAF]  }
0x30: {  	s3 =	sld [smem:$0x3FB2]  }
0x31: {  	[smem:$0x3FBB] =	sst s10  }
0x32: {  	s10 =	sld [smem:$0x3FB9];
	_ =	sdelay $0x3  }
0x33: {  	p0 =	seq.s32 s10, $0x1;
	s10 =	sld [smem:$0x3FBB];
	_ =	sdelay $0x3  }
0x34: {  	[smem:$0x3FBB] =	sst s10  }
0x35: {  	s10 =	sld [smem:$0x3FBA];
	_ =	sdelay $0x3  }
0x36: {  	p1 =	seq.s32 s10, $0x1;
	s10 =	sld [smem:$0x3FBB];
	_ =	sdelay $0x3  }
0x37: {  	[smem:$0x3FBB] =	sst s10  }
0x38: {  	s10 =	sld [smem:$0x3FBC]  }
0x39: {  	_ = 	snop;
	(pc) =	sbr.ind lr, $3  }
0x3a: {  	_ = 	snop  }
0x3b: {  	_ = 	snop  }
0x3c: {  	p2 =	seq.s32 s10, $0x1;
	s10 =	sld [smem:$0x3FBB]  }
0x3d: {  	_ =	shalt  }
0x3e: {  	_ =	shalt  }
0x3f: {  	_ =	shalt  }
0x40: {  	_ =	shalt  }
0x41: {  	_ =	shalt  }
0x42: {  	_ =	shalt  }
0x43: {  	_ =	shalt  }
0x44: {  	_ =	shalt  }
0x45: {  	_ =	shalt  }
0x46: {  	_ =	shalt  }
0x47: {  	_ =	shalt  }
0x48: {  	_ =	shalt  }
0x49: {  	_ =	shalt  }
0x4a: {  	_ =	shalt  }
0x4b: {  	_ =	shalt  }
0x4c: {  	_ =	shalt  }
0x4d: {  	_ =	shalt  }
0x4e: {  	_ =	shalt  }
0x4f: {  	_ =	shalt  }
0x50: {  	_ =	shalt  }
0x51: {  	_ =	shalt  }
0x52: {  	_ =	shalt  }
0x53: {  	_ =	shalt  }
0x54: {  	_ =	shalt  }
0x55: {  	_ =	shalt  }
0x56: {  	_ =	shalt  }
0x57: {  	_ =	shalt  }
0x58: {  	_ =	shalt  }
0x59: {  	_ =	shalt  }
0x5a: {  	_ =	shalt  }
0x5b: {  	_ =	shalt  }
0x5c: {  	_ =	shalt  }
0x5d: {  	_ =	shalt  }
0x5e: {  	_ =	shalt  }
0x5f: {  	_ =	shalt  }
0x60: {  	_ =	shalt  }
0x61: {  	_ =	shalt  }
0x62: {  	_ =	shalt  }
0x63: {  	_ =	shalt  }
0x64: {  	_ =	shalt  }
0x65: {  	_ =	shalt  }
0x66: {  	_ =	shalt  }
0x67: {  	_ =	shalt  }
0x68: {  	_ =	shalt  }
0x69: {  	_ =	shalt  }
0x6a: {  	_ =	shalt  }
0x6b: {  	_ =	shalt  }
0x6c: {  	_ =	shalt  }
0x6d: {  	_ =	shalt  }
0x6e: {  	_ =	shalt  }
0x6f: {  	_ =	shalt  }
0x70: {  	_ =	shalt  }
0x71: {  	_ =	shalt  }
0x72: {  	_ =	shalt  }
0x73: {  	_ =	shalt  }
0x74: {  	_ =	shalt  }
0x75: {  	_ =	shalt  }
0x76: {  	_ =	shalt  }
0x77: {  	_ =	shalt  }
0x78: {  	_ =	shalt  }
0x79: {  	_ =	shalt  }
0x7a: {  	_ =	shalt  }
0x7b: {  	_ =	shalt  }
0x7c: {  	_ =	shalt  }
0x7d: {  	_ =	shalt  }
0x7e: {  	_ =	shalt  }
0x7f: {  	_ =	shalt  }
0x80: {  	_ =	shalt  }
0x81: {  	_ =	shalt  }
0x82: {  	_ =	shalt  }
0x83: {  	_ =	shalt  }
0x84: {  	_ =	shalt  }
0x85: {  	_ =	shalt  }
0x86: {  	_ =	shalt  }
0x87: {  	_ =	shalt  }
.Lfunc_end0:
.L_simem_size_0:
called_computation_lowered:
.L_overlay_start_0:
0x88: {  	s0 =	sld [smem:$0x3FD9]  }
0x89: {  	s1 =	sld [smem:$0x3FFE];
	_ =	sdelay $0x3  }
0x8a: {  	s0 =	sadd.s32 s1, s0  }
0x8b: {  	[smem:$0x3FC7] =	sst s0  }
0x8c: {  	_ = 	snop  }
0x8d: {  	s0 =	sld [smem:$0x3FD0];
	_ =	sdelay $0x2  }
0x8e: {  	s14 =	simm.s32 $0xA;
	s2 =	simm.s32 $0x10  }
0x8f: {  	[smem:s2], [sflag:s14] =	dma.local [hbm:s0], $0x1  }
0x90: {  	_ =	swait.eq [sflag:s14], $0x1  }
0x91: {  	[sflag:s14] =	ssyncset.done $0x0  }
0x92: {  	s15 =	sld [smem:$0x11];
	[sflag:s14] =	ssyncadd.s32 $0xFFFFFFFF  }
0x93: {  	s16 =	sld [smem:$0x13];
	(tm) =	ssettm $0x1  }
0x94: {  	s17 =	sld [smem:$0x3FFB];
	_ =	sdelay $0x3  }
0x95: {  	_ =	strace s17  }
0x96: {  	s2 =	sld [smem:$0x3FFC];
	_ =	sdelay $0x3  }
0x97: {  	_ =	strace s2  }
0x98: {  	s2 =	sld [smem:$0x3FFD];
	_ =	sdelay $0x3  }
0x99: {  	_ =	strace s2  }
0x9a: {  	_ =	strace $0x8FFFFFFF  }
0x9b: {  	s18 =	sld [smem:$0x3FDB];
	_ =	sdelay $0x1  }
0x9c: {  	s3 =	simm.s32 $_scs_section_size  }
0x9d: {  	s4 =	simm.s32 $_size__tile_overlayer_lowered;
	s5 =	simm.s32 $_tile_overlayer_lowered  }
0x9e: {  	s21 =	simm.s32 $0x1BFF;
	s20 =	sshll.u32 s5, $0x1;
	s2 =	sadd.s32 s3, s18  }
0x9f: {  	s6 =	simm.s32 $0x0;
	s19 =	sshll.u32 s4, $0x1;
	s4 =	sadd.s32 s20, s2  }
0xa0: {  	[timem:s6], [sflag:s21] =	dma.local [hbm:s4], s19  }
0xa1: {  	_ =	swait.ge [sflag:s21], s19  }
0xa2: {  	s3 =	ssub.s32 $0x0, s19;
	[sflag:s21] =	ssyncset.done $0x0  }
0xa3: {  	[sflag:s21] =	ssyncadd.s32 s3;
	_ =	sdelay $0x1  }
0xa4: {  	s22 =	simm.s32 $0x1B8B  }
0xa5: {  	_ =	swait.ge [sflag:s22], $0x1  }
0xa6: {  	[sflag:s22] =	ssyncset.done $0x0  }
0xa7: {  	s23 =	simm.s32 $0x1B8E;
	[sflag:s22] =	ssyncadd.s32 $0xFFFFFFFF  }
0xa8: {  	s24 =	simm.s32 $execute0_lowered;
	[smem:$0x3FD2] =	sst s23  }
0xa9: {  	s3 =	sshll.u32 s24, $0x1;
	_ =	strace $0x80000046;
	[dreg:$0x1] =	wrdreg $0xFFFFFFFF  }
0xaa: {  	s25 =	simm.s32 $_size_execute0_lowered;
	s2 =	sadd.s32 s2, s3;
	[dreg:$0x0] =	wrdreg $0x0  }
0xab: {  	s3 =	sshll.u32 s25, $0x1;
	[dreg:$0x2] =	wrdreg s2  }
0xac: {  	[dreg:$0x3] =	wrdreg s3  }
0xad: {  	[dreg:$0x4] =	wrdreg $0xC0  }
0xae: {  	_ =	task [dreg:s6], $0x5FFFF  }
0xaf: {  	[dreg:$0x1] =	wrdreg $0xFFFFFFFF  }
0xb0: {  	[dreg:$0x0] =	wrdreg $0x60  }
0xb1: {  	[dreg:$0x2] =	wrdreg s16  }
0xb2: {  	[dreg:$0x3] =	wrdreg s15  }
0xb3: {  	[dreg:$0x4] =	wrdreg $0x9  }
0xb4: {  	_ =	task.clear_ibuf [dreg:s6], $0x5FFFF;
	_ =	strace $0x90000046  }
0xb5: {  	s26 =	simm.s32 $0x9;
	_ =	strace $0x80000048  }
0xb6: {  	_ =	swait.ge [sflag:s26], $0x1  }
0xb7: {  	[sflag:s26] =	ssyncadd.s32 $0xFFFFFFFF  }
0xb8: {  	_ =	strace $0x90000048  }
0xb9: {  	_ =	sfence  }
0xba: {  	s28 =	sld [smem:$0x0];
	_ =	sdelay $0x1  }
0xbb: {  	s29 =	srdreg.scid  }
0xbc: {  	s30 =	sshll.u32 s29, $0xD;
	s31 =	sshrl.u32 s29, $0x2  }
0xbd: {  	s1 =	sand.u32 $0x1, s29;
	s2 =	sand.u32 $0x4000, s30;
	s0 =	sadd.s32 s31, s28  }
0xbe: {  	s1 =	sor.u32 s2, s1;
	s0 =	sshll.u32 s0, $0x11  }
0xbf: {  	s0 =	sor.u32 s0, s1  }
0xc0: {  	s0 =	sadd.s32 $0x8F2B, s0  }
0xc1: {  	[sflag:s0] =	ssyncadd.remote.s32 $0x1  }
0xc2: {  	_ =	sfence.sel $0xFFFF  }
0xc3: {  	[dreg:$0x0] =	wrdreg $0xFFFFFFFF;
	(pc) =	sbr.abs _section_cstart, $3  }
0xc4: {  	[dreg:$0x1] =	wrdreg $0xFFFFFFFF  }
0xc5: {  	_ =	task.clear_ibuf [dreg:s6], $0x2FFFF;
	_ =	strace $0x9FFFFFFF  }
0xc6: {  	(tm) =	ssettm $0x7FFFFFFF  }
0xc7: {  	_ =	shalt  }
tec
execute0_lowered:
.L_overlay_start_1:
0x0: {  	(tag) =	ssettag $0x1  }
0x1: {  	s4 =	rddreg [dreg:$0x0];
	v0 =	vlaneseq.u32  }
0x2: {  	s2 =	rddreg [dreg:$0x1];
	s1 =	stileid.u32;
	v0 =	vmul.u32 $0x6, v0  }
0x3: {  	s0 =	rddreg [dreg:$0x2];
	s3 =	simm.s32 $0x0;
	s5 =	smul.u32 $0x300, s1  }
0x4: {  	[smem:$0x7FF] =	sst s3;
	v1 =	vor.u32 $0x1, v0  }
0x5: {  	s30 =	simm.s32 $0x1;
	_ =	strace $0x80000047;
	s4 =	sadd.s32 s4, s5;
	v5 =	vadd.s32 s3, v1  }
0x6: {  	v2 =	vadd.s32 $0x2, v0;
	v6 =	vadd.s32 s3, v0;
	[tilespmem:s3], [sflag:$0x1] =	stream.linear.gather [hbm4b:s4+s3], $0x1800, $0x38;
	[tilespmem:$0x1C00] =	vst v63  }
0x7: {  	v7 =	vadd.s32 s3, v2;
	_ =	swait.ge [sflag:s30], $0x1800  }
0x8: {  	v4 =	vadd.s32 $0x3, v0;
	[sflag:s30] =	ssyncset.done $0x0  }
0x9: {  	v8 =	vadd.s32 s3, v4;
	[sflag:s30] =	ssyncadd.s32 $0xFFFFE800  }
0xa: {  	v3 =	vadd.s32 $0x4, v0;
	v9 =	vld.idx.msk [tilespmem:v5+s3+$0x0], $0xffff  }
0xb: {  	v10 =	vadd.s32 s3, v3;
	v6 =	vld.idx.msk [tilespmem:v6+s3+$0x0], $0xffff  }
0xc: {  	v5 =	vadd.s32 $0x5, v0;
	v7 =	vld.idx.msk [tilespmem:v7+s3+$0x0], $0xffff  }
0xd: {  	v11 =	vadd.s32 s3, v5  }
0xe: {  	v8 =	vld.idx.msk [tilespmem:v8+s3+$0x0], $0xffff  }
0xf: {  	v9 =	vadd.f32 v9, v9  }
0x10: {  	v10 =	vld.idx.msk [tilespmem:v10+s3+$0x0], $0xffff  }
0x11: {  	v7 =	vmul.f32 $4.000000000e+00, v7;
	v6 =	vadd.f32 v9, v6  }
0x12: {  	v59 =	vld.idx.msk [tilespmem:v11+s3+$0x0], $0xffff  }
0x13: {  	v6 =	vadd.f32 v7, v6;
	v7 =	vmul.f32 $8.000000000e+00, v8;
	_ =	sdelay $0x1  }
0x14: {  	v6 =	vadd.f32 v7, v6;
	v7 =	vmul.f32 $1.600000000e+01, v10;
	_ =	sdelay $0x1  }
0x15: {  	v6 =	vadd.f32 v7, v6;
	v7 =	vmul.f32 $3.200000000e+01, v59;
	_ =	sdelay $0x1  }
0x16: {  	s31 =	simm.s32 $0x60;
	v6 =	vadd.f32 v7, v6  }
0x17: {  	v7 =	vadd.s32 s31, v1  }
0x18: {  	v8 =	vadd.s32 s31, v0;
	v6 =	vtrunc.f32 v6  }
0x19: {  	v60 =	vadd.s32 s31, v2;
	v6 =	vcvt.f32.s32 v6  }
0x1a: {  	s4 =	simm.s32 $0x1800  }
0x1b: {  	v61 =	vadd.s32 s31, v4;
	[tilespmem:s4+$0x0] =	vst v6  }
0x1c: {  	v6 =	vld.idx.msk [tilespmem:v7+s3+$0x0], $0xffff  }
0x1d: {  	v7 =	vld.idx.msk [tilespmem:v8+s3+$0x0], $0xffff;
	v8 =	vadd.s32 s31, v3  }
0x1e: {  	v9 =	vld.idx.msk [tilespmem:v60+s3+$0x0], $0xffff  }
0x1f: {  	v62 =	vadd.s32 s31, v5  }
0x20: {  	v10 =	vld.idx.msk [tilespmem:v61+s3+$0x0], $0xffff  }
0x21: {  	v6 =	vadd.f32 v6, v6  }
0x22: {  	v8 =	vld.idx.msk [tilespmem:v8+s3+$0x0], $0xffff  }
0x23: {  	v6 =	vadd.f32 v6, v7;
	v7 =	vmul.f32 $4.000000000e+00, v9  }
0x24: {  	v63 =	vld.idx.msk [tilespmem:v62+s3+$0x0], $0xffff  }
0x25: {  	v6 =	vadd.f32 v7, v6;
	v7 =	vmul.f32 $8.000000000e+00, v10;
	_ =	sdelay $0x1  }
0x26: {  	v6 =	vadd.f32 v7, v6;
	v7 =	vmul.f32 $1.600000000e+01, v8;
	_ =	sdelay $0x1  }
0x27: {  	v6 =	vadd.f32 v7, v6;
	v7 =	vmul.f32 $3.200000000e+01, v63;
	_ =	sdelay $0x1  }
0x28: {  	s5 =	simm.s32 $0xC0;
	v7 =	vadd.f32 v7, v6  }
0x29: {  	s6 =	simm.s32 $0x120;
	v6 =	vadd.s32 s5, v1  }
.LBB2_1:
0x2a: {  	p0 =	sne.s32 s6, $0x17A0;
	v8 =	vadd.s32 s5, v0;
	v7 =	vtrunc.f32 v7  }
0x2b: {  	v9 =	vadd.s32 s5, v2;
	v7 =	vcvt.f32.s32 v7  }
0x2c: {  	s4 =	sadd.s32 $0x10, s4  }
0x2d: {  	v10 =	vadd.s32 s5, v4;
	[tilespmem:s4+$0x0] =	vst v7  }
0x2e: {  	v6 =	vld.idx.msk [tilespmem:v6+s3+$0x0], $0xffff  }
0x2f: {  	v7 =	vld.idx.msk [tilespmem:v8+s3+$0x0], $0xffff;
	v8 =	vadd.s32 s5, v3  }
0x30: {  	v9 =	vld.idx.msk [tilespmem:v9+s3+$0x0], $0xffff  }
0x31: {  	v11 =	vadd.s32 s5, v5;
	s5 =	smov.u32 s6  }
0x32: {  	v10 =	vld.idx.msk [tilespmem:v10+s3+$0x0], $0xffff;
	_ =	sdelay $0x1  }
0x33: {  	v6 =	vadd.f32 v6, v6;
	v8 =	vld.idx.msk [tilespmem:v8+s3+$0x0], $0xffff;
	_ =	sdelay $0x1  }
0x34: {  	v6 =	vadd.f32 v6, v7;
	v7 =	vmul.f32 $4.000000000e+00, v9;
	v9 =	vld.idx.msk [tilespmem:v11+s3+$0x0], $0xffff;
	_ =	sdelay $0x1  }
0x35: {  	v6 =	vadd.f32 v7, v6;
	v7 =	vmul.f32 $8.000000000e+00, v10;
	_ =	sdelay $0x1  }
0x36: {  	v6 =	vadd.f32 v7, v6;
	v7 =	vmul.f32 $1.600000000e+01, v8  }
.Ltmp0:
0x37: {  	(pc) =	sbr.rel @p0 .LBB2_1-.Ltmp0, $3  }
0x38: {  	v6 =	vadd.f32 v7, v6;
	v7 =	vmul.f32 $3.200000000e+01, v9;
	_ =	sdelay $0x1  }
0x39: {  	v7 =	vadd.f32 v7, v6  }
0x3a: {  	s6 =	sadd.s32 $0x60, s6;
	v6 =	vadd.s32 s5, v1  }
0x3b: {  	v0 =	vadd.s32 s5, v0;
	v1 =	vtrunc.f32 v7  }
0x3c: {  	v2 =	vadd.s32 s5, v2;
	v1 =	vcvt.f32.s32 v1  }
0x3d: {  	s4 =	sadd.s32 $0x10, s4  }
0x3e: {  	v4 =	vadd.s32 s5, v4;
	[tilespmem:s4+$0x0] =	vst v1  }
0x3f: {  	v1 =	vld.idx.msk [tilespmem:v6+s3+$0x0], $0xffff  }
0x40: {  	v3 =	vadd.s32 s5, v3;
	v0 =	vld.idx.msk [tilespmem:v0+s3+$0x0], $0xffff  }
0x41: {  	v2 =	vld.idx.msk [tilespmem:v2+s3+$0x0], $0xffff  }
0x42: {  	v5 =	vadd.s32 s5, v5  }
0x43: {  	v4 =	vld.idx.msk [tilespmem:v4+s3+$0x0], $0xffff  }
0x44: {  	v1 =	vadd.f32 v1, v1  }
0x45: {  	v3 =	vld.idx.msk [tilespmem:v3+s3+$0x0], $0xffff  }
0x46: {  	v59 =	vmul.f32 $4.000000000e+00, v2;
	v0 =	vadd.f32 v1, v0  }
0x47: {  	v60 =	vld.idx.msk [tilespmem:v5+s3+$0x0], $0xffff  }
0x48: {  	v61 =	vmul.f32 $8.000000000e+00, v4;
	v0 =	vadd.f32 v59, v0;
	_ =	sdelay $0x1  }
0x49: {  	v62 =	vmul.f32 $1.600000000e+01, v3;
	v0 =	vadd.f32 v61, v0;
	_ =	sdelay $0x1  }
0x4a: {  	v63 =	vmul.f32 $3.200000000e+01, v60;
	v0 =	vadd.f32 v62, v0;
	_ =	sdelay $0x1  }
0x4b: {  	v0 =	vadd.f32 v63, v0;
	_ =	sdelay $0x1  }
0x4c: {  	v0 =	vtrunc.f32 v0  }
0x4d: {  	v0 =	vcvt.f32.s32 v0  }
0x4e: {  	s28 =	sshll.u32 s1, $0x7;
	s29 =	simm.s32 $0x0;
	s26 =	sadd.s32 $0x10, s4  }
0x4f: {  	s30 =	simm.s32 $0x1800;
	s31 =	simm.s32 $0x1;
	s2 =	sadd.s32 s2, s28;
	[tilespmem:s26+$0x0] =	vst v0  }
0x50: {  	[hbm4b:s2+s29] =	stream.linear.scatter [tilespmem:s30], [sflag:$0x1], $0x400, $0x38;
	[tilespmem:$0x1C00] =	vst v63  }
0x51: {  	_ =	swait.ge [sflag:s31], $0x400  }
0x52: {  	[sflag:s31] =	ssyncset.done $0x0  }
0x53: {  	[sflag:s31] =	ssyncadd.s32 $0xFFFFFC00  }
0x54: {  	_ =	sfence.sel $0x180000  }
0x55: {  	[bflag:$0x0] =	sbarrier.arrive $0xFFFF  }
0x56: {  	p0 =	sne.s32 s1, $0x0;
	_ =	strace $0x90000047  }
0x57: {  	s0 =	sadd.s32 @!p0 $0x100000, s0;
	[bflag:$0x2] =	sbarrier.arrive $0xFFFF  }
0x58: {  	[sflag:s0] =	ssyncadd.tile.s32 @!p0 $0x1;
	_ =	shalt  }
.Lfunc_end2:
_tile_overlayer_lowered:
.L_overlay_start_2:
0x59: {  	(tag) =	ssettag $0x2  }
0x5a: {  	s0 =	rddreg [dreg:$0x0];
	s2 =	stileid.u32  }
0x5b: {  	s1 =	rddreg [dreg:$0x1];
	p0 =	sne.s32 s2, $0x0  }
0x5c: {  	s3 =	rddreg [dreg:$0x2];
	[bflag:$0x3] =	sbarrier.arrive $0xFFFF;
	s2 =	simm.s32 @!p0 $0x1C01  }
0x5d: {  	[timem:s3], [sflag:s2] =	dma.local @!p0 [hbm:s0], s1  }
0x5e: {  	s0 =	simm.s32 @!p0 $0x1  }
0x5f: {  	_ =	swait.ge @!p0 [sflag:s0], s1  }
0x60: {  	s1 =	ssub.s32 @!p0 $0x0, s1;
	[sflag:s0] =	ssyncset.done @!p0 $0x0  }
0x61: {  	[sflag:s0] =	ssyncadd.s32 @!p0 s1  }
0x62: {  	[bflag:$0x3] =	sbarrier.arrive $0xFFFF  }
0x63: {  	_ =	shalt  }

</sc_bundles>
